<compile_context>
chip_gen: v7x
topology: tpu7x:2x2x1
jax: 0.10.2.dev20260603
libtpu: 0.0.44.dev20260713+nightly
codegen_flags: <defaults>
</compile_context>

<pallas_src>
import functools

import jax
import jax.numpy as jnp
from jax import lax
from jax.experimental import pallas as pl
from jax.experimental.pallas import tpu as pltpu
from jax.experimental.pallas import tpu_sc as plsc

_INFO = plsc.get_sparse_core_info()
_NC = _INFO.num_cores
_NS = _INFO.num_subcores
_NW = _NC * _NS


def kernel(masks, idx):
    M, D = masks.shape
    B = idx.shape[0]
    bpw = B // _NW
    half = bpw // 2

    mesh = plsc.VectorSubcoreMesh(core_axis_name="c", subcore_axis_name="s")

    @functools.partial(
        pl.kernel,
        mesh=mesh,
        out_type=jax.ShapeDtypeStruct((B, D), masks.dtype),
        scratch_types=[
            pltpu.VMEM((half,), jnp.int32),
            pltpu.VMEM((half,), jnp.int32),
            pltpu.VMEM((half, D), masks.dtype),
            pltpu.VMEM((half, D), masks.dtype),
            pltpu.SemaphoreType.DMA,
            pltpu.SemaphoreType.DMA,
            pltpu.SemaphoreType.DMA,
            pltpu.SemaphoreType.DMA,
        ],
    )
    def run(masks_hbm, idx_hbm, out_hbm, ia, ib, buf0, buf1, g0, g1, w0, w1):
        wid = lax.axis_index("s") * _NC + lax.axis_index("c")
        base = wid * bpw
        ca = pltpu.async_copy(idx_hbm.at[2 * wid], ia, g0)
        cb = pltpu.async_copy(idx_hbm.at[2 * wid + 1], ib, g1)
        ca.wait()
        cg0 = pltpu.async_copy(masks_hbm.at[ia], buf0, g0)
        cb.wait()
        cg1 = pltpu.async_copy(masks_hbm.at[ib], buf1, g1)
        cg0.wait()
        cw0 = pltpu.async_copy(buf0, out_hbm.at[pl.ds(base, half)], w0)
        cg1.wait()
        cw1 = pltpu.async_copy(buf1, out_hbm.at[pl.ds(base + half, half)], w1)
        cw0.wait()
        cw1.wait()

    return run(masks, idx.reshape(2 * _NW, half))

# --- scband reference (transcript-rebuilt; emitter-appended) ---
"""Pipeline reference for scband-selection-mask-24421184045071 (READ-ONLY COPY).

The authoritative reference and input builder live on the scoring server;
editing this copy changes nothing except your own understanding.
"""

import jax, jax.numpy as jnp
import numpy as np

M = 1024      # number of stored masks (buffer rows)
D = 8192      # mask width (kv_len-like)
B = 128       # sampled batch (the `shape` arg of forward)


def setup_inputs(seed: int = 0) -> dict:
    key = jax.random.key(seed)
    k1, k2 = jax.random.split(key)
    # The registered buffer `masks`: BoolTensor [M, D]
    masks = jax.random.randint(k1, (M, D), 0, 2).astype(jnp.bool_)
    # torch.randint(len(self.masks), shape) with shape=(B,) -> random indices in [0, M)
    idx = jax.random.randint(k2, (B,), 0, M, dtype=jnp.int32)
    return {"masks": masks, "idx": idx}


def reference(masks, idx):
    # Faithful translation of: return self.masks[idx]
    # (the random idx draw is materialized in setup_inputs for determinism)
    return jnp.take(masks, idx, axis=0)

if __name__ == "__main__":
    import jax
    _d = setup_inputs()
    print(jax.jit(kernel)(*tuple(_d.values())))

</pallas_src>

<mosaic_0001>
#map = affine_map<(d0, d1) -> (0, 0)>
module attributes {stable_mosaic.version = 14 : i64} {
  func.func @run(%arg0: i32, %arg1: i32, %arg2: memref<1024x8192xi32, #tpu.memory_space<hbm>>, %arg3: memref<64x2xi32, #tpu.memory_space<hbm>>, %arg4: memref<128x8192xi32, #tpu.memory_space<hbm>>, %arg5: memref<2xi32, #tpu.memory_space<vmem>>, %arg6: memref<2xi32, #tpu.memory_space<vmem>>, %arg7: memref<2x8192xi32, #tpu.memory_space<vmem>>, %arg8: memref<2x8192xi32, #tpu.memory_space<vmem>>, %arg9: memref<!tpu.dma_semaphore, #tpu.memory_space<semaphore_mem>>, %arg10: memref<!tpu.dma_semaphore, #tpu.memory_space<semaphore_mem>>, %arg11: memref<!tpu.dma_semaphore, #tpu.memory_space<semaphore_mem>>, %arg12: memref<!tpu.dma_semaphore, #tpu.memory_space<semaphore_mem>>) attributes {dimension_semantics = [#tpu.dimension_semantics<core_parallel>, #tpu.dimension_semantics<subcore_parallel>], iteration_bounds = array<i64: 2, 16>, scalar_prefetch = 0 : i64, scratch_operands = 8 : i64, tpu.core_type = #tpu.core_type<sc_vector_subcore>, window_params = [{transform_indices = #map}, {transform_indices = #map}, {transform_indices = #map}]} {
    %mul3A = arith.constant 2 : i32
    %mul3A_0 = arith.muli %arg1, %mul3A : i32
    %add3A = arith.addi %mul3A_0, %arg0 : i32
    %mul3A_1 = arith.constant 4 : i32
    %mul3A_2 = arith.muli %add3A, %mul3A_1 : i32
    %mul3A_3 = arith.constant 2 : i32
    %mul3A_4 = arith.muli %mul3A_3, %add3A : i32
    %dma_start3A = arith.constant 0 : i32
    %dma_start3A_5 = tpu.memref_slice %arg3[%mul3A_4, %dma_start3A] : memref<64x2xi32, #tpu.memory_space<hbm>> -> memref<1x2xi32, #tpu.memory_space<hbm>>
    %dma_start3A_6 = tpu.memref_squeeze %dma_start3A_5 : memref<1x2xi32, #tpu.memory_space<hbm>> -> memref<2xi32, #tpu.memory_space<hbm>>
    %dma_start3A_7 = arith.constant 0 : i32
    %dma_start3A_8 = tpu.memref_slice %arg3[%mul3A_4, %dma_start3A_7] : memref<64x2xi32, #tpu.memory_space<hbm>> -> memref<1x2xi32, #tpu.memory_space<hbm>>
    %dma_start3A_9 = tpu.memref_squeeze %dma_start3A_8 : memref<1x2xi32, #tpu.memory_space<hbm>> -> memref<2xi32, #tpu.memory_space<hbm>>
    tpu.enqueue_dma source(%dma_start3A_9 : memref<2xi32, #tpu.memory_space<hbm>>) target(%arg5 : memref<2xi32, #tpu.memory_space<vmem>>) target_semaphore(%arg9 : memref<!tpu.dma_semaphore, #tpu.memory_space<semaphore_mem>>)
    %mul3A_10 = arith.constant 2 : i32
    %mul3A_11 = arith.muli %mul3A_10, %add3A : i32
    %add3A_12 = arith.constant 1 : i32
    %add3A_13 = arith.addi %mul3A_11, %add3A_12 : i32
    %dma_start3A_14 = arith.constant 0 : i32
    %dma_start3A_15 = tpu.memref_slice %arg3[%add3A_13, %dma_start3A_14] : memref<64x2xi32, #tpu.memory_space<hbm>> -> memref<1x2xi32, #tpu.memory_space<hbm>>
    %dma_start3A_16 = tpu.memref_squeeze %dma_start3A_15 : memref<1x2xi32, #tpu.memory_space<hbm>> -> memref<2xi32, #tpu.memory_space<hbm>>
    %dma_start3A_17 = arith.constant 0 : i32
    %dma_start3A_18 = tpu.memref_slice %arg3[%add3A_13, %dma_start3A_17] : memref<64x2xi32, #tpu.memory_space<hbm>> -> memref<1x2xi32, #tpu.memory_space<hbm>>
    %dma_start3A_19 = tpu.memref_squeeze %dma_start3A_18 : memref<1x2xi32, #tpu.memory_space<hbm>> -> memref<2xi32, #tpu.memory_space<hbm>>
    tpu.enqueue_dma source(%dma_start3A_19 : memref<2xi32, #tpu.memory_space<hbm>>) target(%arg6 : memref<2xi32, #tpu.memory_space<vmem>>) target_semaphore(%arg10 : memref<!tpu.dma_semaphore, #tpu.memory_space<semaphore_mem>>)
    %dma_wait3A = arith.constant 0 : i32
    %dma_wait3A_20 = tpu.memref_slice %arg3[%mul3A_4, %dma_wait3A] : memref<64x2xi32, #tpu.memory_space<hbm>> -> memref<1x2xi32, #tpu.memory_space<hbm>>
    %dma_wait3A_21 = tpu.memref_squeeze %dma_wait3A_20 : memref<1x2xi32, #tpu.memory_space<hbm>> -> memref<2xi32, #tpu.memory_space<hbm>>
    %dma_wait3A_22 = arith.constant 0 : i32
    %dma_wait3A_23 = tpu.memref_slice %arg3[%mul3A_4, %dma_wait3A_22] : memref<64x2xi32, #tpu.memory_space<hbm>> -> memref<1x2xi32, #tpu.memory_space<hbm>>
    %dma_wait3A_24 = tpu.memref_squeeze %dma_wait3A_23 : memref<1x2xi32, #tpu.memory_space<hbm>> -> memref<2xi32, #tpu.memory_space<hbm>>
    tpu.wait_dma2 semaphore(%arg9 : memref<!tpu.dma_semaphore, #tpu.memory_space<semaphore_mem>>) src(%dma_wait3A_24 : memref<2xi32, #tpu.memory_space<hbm>>) dst(%arg5 : memref<2xi32, #tpu.memory_space<vmem>>)
    %dma_start3A_25 = arith.constant 0 : i32
    %dma_start3A_26 = arith.constant 0 : i32
    %dma_start3A_27 = tpu.memref_slice %arg2[%dma_start3A_25, %dma_start3A_26] : memref<1024x8192xi32, #tpu.memory_space<hbm>> -> memref<1024x8192xi32, #tpu.memory_space<hbm>>
    tpu.enqueue_indirect_dma source(%dma_start3A_27 : memref<1024x8192xi32, #tpu.memory_space<hbm>>) target(%arg7 : memref<2x8192xi32, #tpu.memory_space<vmem>>) offsets(%arg5 : memref<2xi32, #tpu.memory_space<vmem>>) semaphore(%arg9 : memref<!tpu.dma_semaphore, #tpu.memory_space<semaphore_mem>>)
    %dma_wait3A_28 = arith.constant 0 : i32
    %dma_wait3A_29 = tpu.memref_slice %arg3[%add3A_13, %dma_wait3A_28] : memref<64x2xi32, #tpu.memory_space<hbm>> -> memref<1x2xi32, #tpu.memory_space<hbm>>
    %dma_wait3A_30 = tpu.memref_squeeze %dma_wait3A_29 : memref<1x2xi32, #tpu.memory_space<hbm>> -> memref<2xi32, #tpu.memory_space<hbm>>
    %dma_wait3A_31 = arith.constant 0 : i32
    %dma_wait3A_32 = tpu.memref_slice %arg3[%add3A_13, %dma_wait3A_31] : memref<64x2xi32, #tpu.memory_space<hbm>> -> memref<1x2xi32, #tpu.memory_space<hbm>>
    %dma_wait3A_33 = tpu.memref_squeeze %dma_wait3A_32 : memref<1x2xi32, #tpu.memory_space<hbm>> -> memref<2xi32, #tpu.memory_space<hbm>>
    tpu.wait_dma2 semaphore(%arg10 : memref<!tpu.dma_semaphore, #tpu.memory_space<semaphore_mem>>) src(%dma_wait3A_33 : memref<2xi32, #tpu.memory_space<hbm>>) dst(%arg6 : memref<2xi32, #tpu.memory_space<vmem>>)
    %dma_start3A_34 = arith.constant 0 : i32
    %dma_start3A_35 = arith.constant 0 : i32
    %dma_start3A_36 = tpu.memref_slice %arg2[%dma_start3A_34, %dma_start3A_35] : memref<1024x8192xi32, #tpu.memory_space<hbm>> -> memref<1024x8192xi32, #tpu.memory_space<hbm>>
    tpu.enqueue_indirect_dma source(%dma_start3A_36 : memref<1024x8192xi32, #tpu.memory_space<hbm>>) target(%arg8 : memref<2x8192xi32, #tpu.memory_space<vmem>>) offsets(%arg6 : memref<2xi32, #tpu.memory_space<vmem>>) semaphore(%arg10 : memref<!tpu.dma_semaphore, #tpu.memory_space<semaphore_mem>>)
    %dma_wait3A_37 = arith.constant 0 : i32
    %dma_wait3A_38 = arith.constant 0 : i32
    %dma_wait3A_39 = tpu.memref_slice %arg2[%dma_wait3A_37, %dma_wait3A_38] : memref<1024x8192xi32, #tpu.memory_space<hbm>> -> memref<1024x8192xi32, #tpu.memory_space<hbm>>
    tpu.wait_indirect_dma semaphore(%arg9 : memref<!tpu.dma_semaphore, #tpu.memory_space<semaphore_mem>>) src(%dma_wait3A_39 : memref<1024x8192xi32, #tpu.memory_space<hbm>>) dst(%arg7 : memref<2x8192xi32, #tpu.memory_space<vmem>>)
    %dma_start3A_40 = arith.constant 0 : i32
    %dma_start3A_41 = tpu.memref_slice %arg4[%mul3A_2, %dma_start3A_40] : memref<128x8192xi32, #tpu.memory_space<hbm>> -> memref<2x8192xi32, #tpu.memory_space<hbm>>
    %dma_start3A_42 = arith.constant 0 : i32
    %dma_start3A_43 = tpu.memref_slice %arg4[%mul3A_2, %dma_start3A_42] : memref<128x8192xi32, #tpu.memory_space<hbm>> -> memref<2x8192xi32, #tpu.memory_space<hbm>>
    tpu.enqueue_dma source(%arg7 : memref<2x8192xi32, #tpu.memory_space<vmem>>) target(%dma_start3A_43 : memref<2x8192xi32, #tpu.memory_space<hbm>>) target_semaphore(%arg11 : memref<!tpu.dma_semaphore, #tpu.memory_space<semaphore_mem>>)
    %dma_wait3A_44 = arith.constant 0 : i32
    %dma_wait3A_45 = arith.constant 0 : i32
    %dma_wait3A_46 = tpu.memref_slice %arg2[%dma_wait3A_44, %dma_wait3A_45] : memref<1024x8192xi32, #tpu.memory_space<hbm>> -> memref<1024x8192xi32, #tpu.memory_space<hbm>>
    tpu.wait_indirect_dma semaphore(%arg10 : memref<!tpu.dma_semaphore, #tpu.memory_space<semaphore_mem>>) src(%dma_wait3A_46 : memref<1024x8192xi32, #tpu.memory_space<hbm>>) dst(%arg8 : memref<2x8192xi32, #tpu.memory_space<vmem>>)
    %add3A_47 = arith.constant 2 : i32
    %add3A_48 = arith.addi %mul3A_2, %add3A_47 : i32
    %dma_start3A_49 = arith.constant 0 : i32
    %dma_start3A_50 = tpu.memref_slice %arg4[%add3A_48, %dma_start3A_49] : memref<128x8192xi32, #tpu.memory_space<hbm>> -> memref<2x8192xi32, #tpu.memory_space<hbm>>
    %dma_start3A_51 = arith.constant 0 : i32
    %dma_start3A_52 = tpu.memref_slice %arg4[%add3A_48, %dma_start3A_51] : memref<128x8192xi32, #tpu.memory_space<hbm>> -> memref<2x8192xi32, #tpu.memory_space<hbm>>
    tpu.enqueue_dma source(%arg8 : memref<2x8192xi32, #tpu.memory_space<vmem>>) target(%dma_start3A_52 : memref<2x8192xi32, #tpu.memory_space<hbm>>) target_semaphore(%arg12 : memref<!tpu.dma_semaphore, #tpu.memory_space<semaphore_mem>>)
    %dma_wait3A_53 = arith.constant 0 : i32
    %dma_wait3A_54 = tpu.memref_slice %arg4[%mul3A_2, %dma_wait3A_53] : memref<128x8192xi32, #tpu.memory_space<hbm>> -> memref<2x8192xi32, #tpu.memory_space<hbm>>
    %dma_wait3A_55 = arith.constant 0 : i32
    %dma_wait3A_56 = tpu.memref_slice %arg4[%mul3A_2, %dma_wait3A_55] : memref<128x8192xi32, #tpu.memory_space<hbm>> -> memref<2x8192xi32, #tpu.memory_space<hbm>>
    tpu.wait_dma2 semaphore(%arg11 : memref<!tpu.dma_semaphore, #tpu.memory_space<semaphore_mem>>) src(%arg7 : memref<2x8192xi32, #tpu.memory_space<vmem>>) dst(%dma_wait3A_56 : memref<2x8192xi32, #tpu.memory_space<hbm>>)
    %dma_wait3A_57 = arith.constant 0 : i32
    %dma_wait3A_58 = tpu.memref_slice %arg4[%add3A_48, %dma_wait3A_57] : memref<128x8192xi32, #tpu.memory_space<hbm>> -> memref<2x8192xi32, #tpu.memory_space<hbm>>
    %dma_wait3A_59 = arith.constant 0 : i32
    %dma_wait3A_60 = tpu.memref_slice %arg4[%add3A_48, %dma_wait3A_59] : memref<128x8192xi32, #tpu.memory_space<hbm>> -> memref<2x8192xi32, #tpu.memory_space<hbm>>
    tpu.wait_dma2 semaphore(%arg12 : memref<!tpu.dma_semaphore, #tpu.memory_space<semaphore_mem>>) src(%arg8 : memref<2x8192xi32, #tpu.memory_space<vmem>>) dst(%dma_wait3A_60 : memref<2x8192xi32, #tpu.memory_space<hbm>>)
    return
  }
}

</mosaic_0001>

<sc_bundles>
// kernel: kernel.3.cloned.1.call-start
scs
__scs_entry_jumppad:
0x0: {  	(pc) =	sbr.rel $0x88, $3  }
0x1: {  	(tag) =	ssettag $0x0;
	lr =	simm.s32 $0x1  }
0x2: {  	[smem:$0x3F9F] =	sst lr;
	_ =	strace $0xD0000000  }
0x3: {  	_ = 	snop  }
0x4: {  	_ = 	snop  }
0x5: {  	_ = 	snop  }
0x6: {  	_ = 	snop  }
0x7: {  	_ = 	snop  }
__scs_overlays_trampoline_lowered:
0x8: {  	[smem:$0x3FAE] =	sst s0  }
0x9: {  	[smem:$0x3FAF] =	sst s1  }
0xa: {  	[smem:$0x3FB0] =	sst s2  }
0xb: {  	[smem:$0x3FB1] =	sst s3  }
0xc: {  	[smem:$0x3FB2] =	sst s4  }
0xd: {  	[smem:$0x3FB3] =	sst s5  }
0xe: {  	[smem:$0x3FB4] =	sst s6  }
0xf: {  	[smem:$0x3FB5] =	sst s7  }
0x10: {  	[smem:$0x3FB6] =	sst s8  }
0x11: {  	[smem:$0x3FB7] =	sst s9;
	s0 =	simm.s32 @!p0 $0x0  }
0x12: {  	s1 =	sld [smem:$0x3F9D];
	s0 =	simm.s32 @p0 $0x1  }
0x13: {  	[smem:$0x3FB8] =	sst s0;
	s0 =	simm.s32 @!p1 $0x0  }
0x14: {  	s2 =	sld [smem:$0x3F9C];
	s0 =	simm.s32 @p1 $0x1  }
0x15: {  	[smem:$0x3FB9] =	sst s0;
	s0 =	simm.s32 @!p2 $0x0  }
0x16: {  	s3 =	sld [smem:$0x3FDB];
	s0 =	simm.s32 @p2 $0x1  }
0x17: {  	s4 =	simm.s32 $0x1BF5;
	[smem:$0x3FBB] =	sst s0  }
0x18: {  	s0 =	sld [smem:$0x3F9E];
	_ =	swait.ge [sflag:s4], $0x0  }
0x19: {  	s7 =	sld [smem:$0x3F9F]  }
0x1a: {  	s8 =	sadd.s32 $0xFFFFE003, lr  }
0x1b: {  	s9 =	sadd.s32 $0xFFFFFEF7, lr;
	s5 =	simm.s32 $0xFFFFFFFF;
	p2 =	slt.u32 s8, $0xFFFFF086  }
0x1c: {  	p1 =	slt.u32 s9, $0xF7A;
	s5 =	simm.s32 @!p2 $0x0  }
0x1d: {  	s5 =	simm.s32 @p1 $0x1;
	p0 =	seq.s32 s7, s2  }
0x1e: {  	s7 =	smul.u32 @!p0 $0xF7A, s2;
	p2 =	seq.s32 @!p0 s5, $0x0  }
0x1f: {  	s9 =	smul.u32 $0xF7A, s1;
	s8 =	simm.s32 @!p0 $0x1BF5;
	p2 =	por !p2, p0  }
0x20: {  	[sflag:s8] =	ssyncset.s32 @!p0 $0xFFFFF086;
	s6 =	sadd.s32 @!p0 s3, s7;
	s7 =	simm.s32 @!p0 $0x108  }
0x21: {  	s3 =	sadd.s32 s3, s9;
	s6 =	sadd.s32 @!p0 $0x88, s6;
	s7 =	simm.s32 @p2 $0x1082  }
0x22: {  	[simem:s7], [sflag:s8] =	dma.local @!p0 [hbm:s6], $0xF7A  }
0x23: {  	s9 =	sor.u32 $0xD0000000, s2;
	s6 =	simm.s32 $0x108;
	_ =	swait.ge @!p0 [sflag:s8], $0x0  }
0x24: {  	s3 =	sadd.s32 $0x88, s3;
	s6 =	simm.s32 @!p1 $0x1082;
	[sflag:s4] =	ssyncset.s32 $0xFFFFF086  }
0x25: {  	[simem:s6], [sflag:s4] =	dma.local [hbm:s3], $0xF7A  }
0x26: {  	[smem:$0x3F9F] =	sst s1;
	(tag) =	ssettag s2;
	_ =	strace s9  }
0x27: {  	s1 =	sld [smem:$0x3FAF]  }
0x28: {  	s2 =	sld [smem:$0x3FB0]  }
0x29: {  	s4 =	sld [smem:$0x3FB2]  }
0x2a: {  	p0 =	seq.s32 s5, $0x0;
	s5 =	sld [smem:$0x3FB3]  }
0x2b: {  	s6 =	sld [smem:$0x3FB4]  }
0x2c: {  	s7 =	sld [smem:$0x3FB5]  }
0x2d: {  	s3 =	simm.s32 $0x108;
	s8 =	sld [smem:$0x3FB6]  }
0x2e: {  	s3 =	simm.s32 @!p0 $0x1082;
	s9 =	sld [smem:$0x3FB7]  }
0x2f: {  	lr =	sadd.s32 s0, s3;
	s0 =	sld [smem:$0x3FAE]  }
0x30: {  	s3 =	sld [smem:$0x3FB1]  }
0x31: {  	[smem:$0x3FBA] =	sst s10  }
0x32: {  	s10 =	sld [smem:$0x3FB8];
	_ =	sdelay $0x3  }
0x33: {  	p0 =	seq.s32 s10, $0x1;
	s10 =	sld [smem:$0x3FBA];
	_ =	sdelay $0x3  }
0x34: {  	[smem:$0x3FBA] =	sst s10  }
0x35: {  	s10 =	sld [smem:$0x3FB9];
	_ =	sdelay $0x3  }
0x36: {  	p1 =	seq.s32 s10, $0x1;
	s10 =	sld [smem:$0x3FBA];
	_ =	sdelay $0x3  }
0x37: {  	[smem:$0x3FBA] =	sst s10  }
0x38: {  	s10 =	sld [smem:$0x3FBB]  }
0x39: {  	_ = 	snop;
	(pc) =	sbr.ind lr, $3  }
0x3a: {  	_ = 	snop  }
0x3b: {  	_ = 	snop  }
0x3c: {  	p2 =	seq.s32 s10, $0x1;
	s10 =	sld [smem:$0x3FBA]  }
0x3d: {  	_ =	shalt  }
0x3e: {  	_ =	shalt  }
0x3f: {  	_ =	shalt  }
0x40: {  	_ =	shalt  }
0x41: {  	_ =	shalt  }
0x42: {  	_ =	shalt  }
0x43: {  	_ =	shalt  }
0x44: {  	_ =	shalt  }
0x45: {  	_ =	shalt  }
0x46: {  	_ =	shalt  }
0x47: {  	_ =	shalt  }
0x48: {  	_ =	shalt  }
0x49: {  	_ =	shalt  }
0x4a: {  	_ =	shalt  }
0x4b: {  	_ =	shalt  }
0x4c: {  	_ =	shalt  }
0x4d: {  	_ =	shalt  }
0x4e: {  	_ =	shalt  }
0x4f: {  	_ =	shalt  }
0x50: {  	_ =	shalt  }
0x51: {  	_ =	shalt  }
0x52: {  	_ =	shalt  }
0x53: {  	_ =	shalt  }
0x54: {  	_ =	shalt  }
0x55: {  	_ =	shalt  }
0x56: {  	_ =	shalt  }
0x57: {  	_ =	shalt  }
0x58: {  	_ =	shalt  }
0x59: {  	_ =	shalt  }
0x5a: {  	_ =	shalt  }
0x5b: {  	_ =	shalt  }
0x5c: {  	_ =	shalt  }
0x5d: {  	_ =	shalt  }
0x5e: {  	_ =	shalt  }
0x5f: {  	_ =	shalt  }
0x60: {  	_ =	shalt  }
0x61: {  	_ =	shalt  }
0x62: {  	_ =	shalt  }
0x63: {  	_ =	shalt  }
0x64: {  	_ =	shalt  }
0x65: {  	_ =	shalt  }
0x66: {  	_ =	shalt  }
0x67: {  	_ =	shalt  }
0x68: {  	_ =	shalt  }
0x69: {  	_ =	shalt  }
0x6a: {  	_ =	shalt  }
0x6b: {  	_ =	shalt  }
0x6c: {  	_ =	shalt  }
0x6d: {  	_ =	shalt  }
0x6e: {  	_ =	shalt  }
0x6f: {  	_ =	shalt  }
0x70: {  	_ =	shalt  }
0x71: {  	_ =	shalt  }
0x72: {  	_ =	shalt  }
0x73: {  	_ =	shalt  }
0x74: {  	_ =	shalt  }
0x75: {  	_ =	shalt  }
0x76: {  	_ =	shalt  }
0x77: {  	_ =	shalt  }
0x78: {  	_ =	shalt  }
0x79: {  	_ =	shalt  }
0x7a: {  	_ =	shalt  }
0x7b: {  	_ =	shalt  }
0x7c: {  	_ =	shalt  }
0x7d: {  	_ =	shalt  }
0x7e: {  	_ =	shalt  }
0x7f: {  	_ =	shalt  }
0x80: {  	_ =	shalt  }
0x81: {  	_ =	shalt  }
0x82: {  	_ =	shalt  }
0x83: {  	_ =	shalt  }
0x84: {  	_ =	shalt  }
0x85: {  	_ =	shalt  }
0x86: {  	_ =	shalt  }
0x87: {  	_ =	shalt  }
.Lfunc_end0:
.L_simem_size_0:
called_computation_lowered:
.L_overlay_start_0:
0x88: {  	s2 =	sld [smem:$0x3FD9]  }
0x89: {  	s3 =	sld [smem:$0x3FFE];
	_ =	sdelay $0x1  }
0x8a: {  	s1 =	srdreg.scid  }
0x8b: {  	s0 =	sand.u32 $0x1, s1  }
0x8c: {  	s17 =	sshll.u32 s0, $0xA;
	s2 =	sadd.s32 s3, s2  }
0x8d: {  	s2 =	sadd.s32 s2, s17  }
0x8e: {  	[smem:$0x3FC6] =	sst s2  }
0x8f: {  	_ = 	snop  }
0x90: {  	s2 =	sld [smem:$0x3FD0];
	(tm) =	ssettm $0x1  }
0x91: {  	s18 =	sld [smem:$0x3FFB];
	_ =	sdelay $0x3  }
0x92: {  	_ =	strace s18  }
0x93: {  	s3 =	sld [smem:$0x3FFC];
	_ =	sdelay $0x3  }
0x94: {  	_ =	strace s3  }
0x95: {  	s3 =	sld [smem:$0x3FFD];
	_ =	sdelay $0x3  }
0x96: {  	_ =	strace s3  }
0x97: {  	_ =	strace $0x8FFFFFFF  }
0x98: {  	s19 =	sld [smem:$0x3FDB];
	_ =	sdelay $0x1  }
0x99: {  	s4 =	simm.s32 $_scs_section_size  }
0x9a: {  	s5 =	simm.s32 $_size__tile_overlayer_lowered;
	s6 =	simm.s32 $_tile_overlayer_lowered  }
0x9b: {  	s22 =	simm.s32 $0x1BFF;
	s21 =	sshll.u32 s6, $0x1;
	s3 =	sadd.s32 s4, s19  }
0x9c: {  	s7 =	simm.s32 $0x0;
	s20 =	sshll.u32 s5, $0x1;
	s5 =	sadd.s32 s21, s3  }
0x9d: {  	[timem:s7], [sflag:s22] =	dma.local [hbm:s5], s20  }
0x9e: {  	_ =	swait.ge [sflag:s22], s20  }
0x9f: {  	s4 =	ssub.s32 $0x0, s20;
	[sflag:s22] =	ssyncset.done $0x0  }
0xa0: {  	[sflag:s22] =	ssyncadd.s32 s4;
	_ =	sdelay $0x1  }
0xa1: {  	s23 =	simm.s32 $0x1B8B  }
0xa2: {  	_ =	swait.ge [sflag:s23], $0x1  }
0xa3: {  	[sflag:s23] =	ssyncset.done $0x0  }
0xa4: {  	s25 =	simm.s32 $0x1B8E;
	s24 =	sld [smem:$0x3FFE];
	[sflag:s23] =	ssyncadd.s32 $0xFFFFFFFF  }
0xa5: {  	s26 =	simm.s32 $execute0_lowered;
	[smem:$0x3FD2] =	sst s25  }
0xa6: {  	s5 =	sshll.u32 s26, $0x1;
	_ =	strace $0x80000046;
	[dreg:$0x1] =	wrdreg $0xFFFFFFFF  }
0xa7: {  	s28 =	simm.s32 $_size_execute0_lowered;
	s3 =	sadd.s32 s3, s5;
	[dreg:$0x0] =	wrdreg $0x0  }
0xa8: {  	s5 =	sshll.u32 s28, $0x1;
	[dreg:$0x2] =	wrdreg s3  }
0xa9: {  	[dreg:$0x3] =	wrdreg s5  }
0xaa: {  	[dreg:$0x4] =	wrdreg $0xC0  }
0xab: {  	_ =	task [dreg:s7], $0x5FFFF  }
0xac: {  	[dreg:$0x1] =	wrdreg $0xFFFFFFFF  }
0xad: {  	[dreg:$0x0] =	wrdreg $0x60  }
0xae: {  	[dreg:$0x2] =	wrdreg s24  }
0xaf: {  	[dreg:$0x3] =	wrdreg s2  }
0xb0: {  	[dreg:$0x4] =	wrdreg $0x9  }
0xb1: {  	_ =	task.clear_ibuf [dreg:s7], $0x5FFFF;
	_ =	strace $0x90000046  }
0xb2: {  	s29 =	simm.s32 $0x9;
	_ =	strace $0x80000048  }
0xb3: {  	_ =	swait.ge [sflag:s29], $0x1  }
0xb4: {  	[sflag:s29] =	ssyncadd.s32 $0xFFFFFFFF  }
0xb5: {  	_ =	strace $0x90000048  }
0xb6: {  	_ =	sfence  }
0xb7: {  	s30 =	sld [smem:$0x0];
	_ =	sdelay $0x2  }
0xb8: {  	s31 =	sshll.u32 s1, $0xD;
	s1 =	sshrl.u32 s1, $0x2  }
0xb9: {  	s3 =	sand.u32 $0x4000, s31;
	s1 =	sadd.s32 s1, s30  }
0xba: {  	s0 =	sor.u32 s3, s0;
	s1 =	sshll.u32 s1, $0x11  }
0xbb: {  	s0 =	sor.u32 s1, s0  }
0xbc: {  	s0 =	sadd.s32 $0x8F2B, s0  }
0xbd: {  	[sflag:s0] =	ssyncadd.remote.s32 $0x1  }
0xbe: {  	_ =	sfence.sel $0xFFFF  }
0xbf: {  	[dreg:$0x0] =	wrdreg $0xFFFFFFFF;
	(pc) =	sbr.abs _section_cstart, $3  }
0xc0: {  	[dreg:$0x1] =	wrdreg $0xFFFFFFFF  }
0xc1: {  	_ =	task.clear_ibuf [dreg:s7], $0x2FFFF;
	_ =	strace $0x9FFFFFFF  }
0xc2: {  	(tm) =	ssettm $0x7FFFFFFF  }
0xc3: {  	_ =	shalt  }
tec
execute0_lowered:
.L_overlay_start_1:
0x0: {  	(tag) =	ssettag $0x1  }
0x1: {  	s0 =	rddreg [dreg:$0x0]  }
0x2: {  	s4 =	rddreg [dreg:$0x1];
	s2 =	simm.s32 $0x0;
	s3 =	srdreg.scid  }
0x3: {  	s1 =	stileid.u32;
	s24 =	simm.s32 $0x80;
	s25 =	simm.s32 $0x900  }
0x4: {  	s26 =	simm.s32 $0x1100;
	s16 =	simm.s32 $0x2100;
	s17 =	simm.s32 $0x2900  }
0x5: {  	s18 =	simm.s32 $0x3100;
	s19 =	simm.s32 $0x3900;
	s28 =	simm.s32 $0x7100  }
0x6: {  	s29 =	simm.s32 $0x7900;
	s30 =	simm.s32 $0x400;
	s31 =	simm.s32 $0x3  }
0x7: {  	[smem:$0x7FF] =	sst s2;
	s5 =	sand.u32 $0x1, s3;
	s3 =	sadd.s32 $0x400, s0  }
0x8: {  	s6 =	sshll.u32 s1, $0x6;
	s9 =	sshll.u32 s1, $0xD;
	s10 =	sadd.s32 $0x1C00, s0  }
0x9: {  	s11 =	sadd.s32 $0x2000, s0;
	_ =	strace $0x80000047;
	[dreg:$0x6] =	wrdreg s24  }
0xa: {  	s7 =	sshll.u32 s5, $0x5;
	s8 =	sshll.u32 s5, $0x6;
	[dreg:$0x7] =	wrdreg s25  }
0xb: {  	s5 =	ssub.s32 $0x2, s5;
	[dreg:$0x8] =	wrdreg s26;
	s24 =	simm.s32 $0x5900  }
0xc: {  	s25 =	simm.s32 $0x6100;
	s26 =	simm.s32 $0x6900;
	s6 =	sor.u32 s7, s6  }
0xd: {  	s20 =	sor.u32 s8, s9;
	s21 =	sshrl.u32 s5, $0x1;
	s7 =	sadd.s32 $0x1000, s0  }
0xe: {  	s8 =	sadd.s32 $0x1400, s0;
	s9 =	sadd.s32 $0x1800, s0;
	s4 =	sadd.s32 s4, s6  }
0xf: {  	s12 =	sadd.s32 s20, s0;
	s13 =	ssub.s32 s5, s21;
	s5 =	sadd.s32 $0x800, s0  }
0x10: {  	s6 =	sadd.s32 $0xC00, s0;
	s20 =	simm.s32 $0x2;
	s22 =	sadd.s32 $0x10, s4  }
0x11: {  	s21 =	simm.s32 $0x4100;
	s14 =	sadd.s32 $0x100400, s12;
	[dreg:$0x3] =	wrdreg s22  }
0x12: {  	v0 =	vlaneseq.u32;
	s0 =	simm.s32 $0x4;
	s23 =	sadd.s32 $0x100420, s12;
	[dreg:$0x4] =	wrdreg s14  }
0x13: {  	v1 =	vshrl.u32 v0, $0x1;
	s12 =	smax.u32 s13, $0x1;
	s13 =	simm.s32 $0x1;
	[dreg:$0x5] =	wrdreg s23  }
0x14: {  	vm0 =	vmmov $0xffff;
	v0 =	vand.u32 $0x1, v0;
	v1 =	vmul.u32 $0x8, v1;
	s14 =	simm.s32 $0x100;
	s22 =	simm.s32 $0x4900;
	s23 =	simm.s32 $0x5100  }
.LBB2_1:
0x15: {  	s1 =	rddreg [dreg:$0x3]  }
0x16: {  	[tilespmem:s2], [sflag:$0x1] =	stream.linear.gather [hbm4b:s4+s2], $0x80, $0x38;
	[tilespmem:$0x8100] =	vst v63  }
0x17: {  	s15 =	rddreg [dreg:$0x6]  }
0x18: {  	[tilespmem:s15], [sflag:$0x2] =	stream.linear.gather [hbm4b:s1+s2], $0x80, $0x38;
	[tilespmem:$0x8100] =	vst v63  }
0x19: {  	_ =	swait.ge [sflag:s13], $0x80  }
0x1a: {  	[sflag:s13] =	ssyncset.done $0x0  }
0x1b: {  	[sflag:s13] =	ssyncadd.s32 $0xFFFFFF80  }
0x1c: {  	v2 =	vld.msk [tilespmem:$0x0], $0x3;
	_ =	sdelay $0x4  }
0x1d: {  	v3 =	vshll.u32 v2, $0x6  }
0x1e: {  	v2 =	vand.u32 $0x7, v2;
	v3 =	vand.u32 $0xFFFFFE00, v3  }
0x1f: {  	v2 =	vor.u32 v2, v3  }
0x20: {  	v2 =	vperm.xlane v2, v0;
	_ =	sdelay $0x1  }
0x21: {  	v2 =	vadd.s32 v1, v2;
	_ =	sdelay $0x4  }
0x22: {  	[tilespmem:s14], [sflag:$0x1] =	stream.indirect_vreg.gather [hbm4b:s3+s2], $0x80, v2, vm0, $0xb8;
	[tilespmem:$0x8100] =	vst v63  }
0x23: {  	s1 =	rddreg [dreg:$0x7]  }
0x24: {  	[tilespmem:s1], [sflag:$0x1] =	stream.indirect_vreg.gather [hbm4b:s5+s2], $0x80, v2, vm0, $0xb8;
	[tilespmem:$0x8100] =	vst v63  }
0x25: {  	s15 =	rddreg [dreg:$0x8]  }
0x26: {  	[tilespmem:s15], [sflag:$0x1] =	stream.indirect_vreg.gather [hbm4b:s6+s2], $0x80, v2, vm0, $0xb8;
	[tilespmem:$0x8100] =	vst v63  }
0x27: {  	s15 =	simm.s32 $0x1900  }
0x28: {  	[tilespmem:s15], [sflag:$0x1] =	stream.indirect_vreg.gather [hbm4b:s7+s2], $0x80, v2, vm0, $0xb8;
	[tilespmem:$0x8100] =	vst v63  }
0x29: {  	_ = 	snop  }
0x2a: {  	[tilespmem:s16], [sflag:$0x1] =	stream.indirect_vreg.gather [hbm4b:s8+s2], $0x80, v2, vm0, $0xb8;
	[tilespmem:$0x8100] =	vst v63  }
0x2b: {  	_ = 	snop  }
0x2c: {  	[tilespmem:s17], [sflag:$0x1] =	stream.indirect_vreg.gather [hbm4b:s9+s2], $0x80, v2, vm0, $0xb8;
	[tilespmem:$0x8100] =	vst v63  }
0x2d: {  	_ = 	snop  }
0x2e: {  	[tilespmem:s18], [sflag:$0x1] =	stream.indirect_vreg.gather [hbm4b:s10+s2], $0x80, v2, vm0, $0xb8;
	[tilespmem:$0x8100] =	vst v63  }
0x2f: {  	_ = 	snop  }
0x30: {  	[tilespmem:s19], [sflag:$0x1] =	stream.indirect_vreg.gather [hbm4b:s11+s2], $0x80, v2, vm0, $0xb8;
	[tilespmem:$0x8100] =	vst v63  }
0x31: {  	_ =	swait.ge [sflag:s20], $0x80  }
0x32: {  	[sflag:s20] =	ssyncset.done $0x0  }
0x33: {  	[sflag:s20] =	ssyncadd.s32 $0xFFFFFF80  }
0x34: {  	v2 =	vld.msk [tilespmem:$0x80], $0x3;
	_ =	sdelay $0x4  }
0x35: {  	v3 =	vshll.u32 v2, $0x6  }
0x36: {  	v2 =	vand.u32 $0x7, v2;
	v3 =	vand.u32 $0xFFFFFE00, v3  }
0x37: {  	v2 =	vor.u32 v2, v3  }
0x38: {  	v2 =	vperm.xlane v2, v0;
	_ =	sdelay $0x1  }
0x39: {  	v2 =	vadd.s32 v1, v2;
	_ =	sdelay $0x4  }
0x3a: {  	[tilespmem:s21], [sflag:$0x2] =	stream.indirect_vreg.gather [hbm4b:s3+s2], $0x80, v2, vm0, $0xb8;
	[tilespmem:$0x8100] =	vst v63  }
0x3b: {  	_ = 	snop  }
0x3c: {  	[tilespmem:s22], [sflag:$0x2] =	stream.indirect_vreg.gather [hbm4b:s5+s2], $0x80, v2, vm0, $0xb8;
	[tilespmem:$0x8100] =	vst v63  }
0x3d: {  	_ = 	snop  }
0x3e: {  	[tilespmem:s23], [sflag:$0x2] =	stream.indirect_vreg.gather [hbm4b:s6+s2], $0x80, v2, vm0, $0xb8;
	[tilespmem:$0x8100] =	vst v63  }
0x3f: {  	_ = 	snop  }
0x40: {  	[tilespmem:s24], [sflag:$0x2] =	stream.indirect_vreg.gather [hbm4b:s7+s2], $0x80, v2, vm0, $0xb8;
	[tilespmem:$0x8100] =	vst v63  }
0x41: {  	_ = 	snop  }
0x42: {  	[tilespmem:s25], [sflag:$0x2] =	stream.indirect_vreg.gather [hbm4b:s8+s2], $0x80, v2, vm0, $0xb8;
	[tilespmem:$0x8100] =	vst v63  }
0x43: {  	_ = 	snop  }
0x44: {  	[tilespmem:s26], [sflag:$0x2] =	stream.indirect_vreg.gather [hbm4b:s9+s2], $0x80, v2, vm0, $0xb8;
	[tilespmem:$0x8100] =	vst v63  }
0x45: {  	_ = 	snop  }
0x46: {  	[tilespmem:s28], [sflag:$0x2] =	stream.indirect_vreg.gather [hbm4b:s10+s2], $0x80, v2, vm0, $0xb8;
	[tilespmem:$0x8100] =	vst v63  }
0x47: {  	_ = 	snop  }
0x48: {  	[tilespmem:s29], [sflag:$0x2] =	stream.indirect_vreg.gather [hbm4b:s11+s2], $0x80, v2, vm0, $0xb8;
	[tilespmem:$0x8100] =	vst v63  }
0x49: {  	_ =	swait.ge [sflag:s13], $0x4000  }
0x4a: {  	[sflag:s13] =	ssyncset.done $0x0  }
0x4b: {  	s15 =	rddreg [dreg:$0x4];
	[sflag:s13] =	ssyncadd.s32 $0xFFFFC000  }
0x4c: {  	[hbm4b:s15+s14] =	stream.strided.scatter [tilespmem:s14], [sflag:$0x3], $0x4000, s30, s14, $0x38;
	[tilespmem:$0x8100] =	vst v63  }
0x4d: {  	_ =	swait.ge [sflag:s20], $0x4000  }
0x4e: {  	[sflag:s20] =	ssyncset.done $0x0  }
0x4f: {  	s15 =	rddreg [dreg:$0x5];
	[sflag:s20] =	ssyncadd.s32 $0xFFFFC000  }
0x50: {  	[hbm4b:s15+s14] =	stream.strided.scatter [tilespmem:s21], [sflag:$0x4], $0x4000, s30, s14, $0x38;
	[tilespmem:$0x8100] =	vst v63  }
0x51: {  	p0 =	sne.s32 s12, $0x1;
	_ =	swait.ge [sflag:s31], $0x4000  }
.Ltmp0:
0x52: {  	[sflag:s31] =	ssyncset.done $0x0;
	(pc) =	sbr.rel @p0 .LBB2_1-.Ltmp0, $4  }
0x53: {  	[sflag:s31] =	ssyncadd.s32 $0xFFFFC000  }
0x54: {  	_ =	swait.ge [sflag:s0], $0x4000  }
0x55: {  	[sflag:s0] =	ssyncset.done $0x0  }
0x56: {  	s12 =	sadd.s32 $0xFFFFFFFF, s12;
	[sflag:s0] =	ssyncadd.s32 $0xFFFFC000  }
0x57: {  	_ =	sfence.sel $0x180000  }
0x58: {  	[bflag:$0x0] =	sbarrier.arrive $0xFFFF  }
0x59: {  	_ =	strace $0x90000047  }
0x5a: {  	s0 =	stileid.u32;
	[bflag:$0x2] =	sbarrier.arrive $0xFFFF  }
0x5b: {  	p0 =	sne.s32 s0, $0x0;
	s0 =	rddreg [dreg:$0x2]  }
0x5c: {  	s0 =	sadd.s32 @!p0 $0x100000, s0  }
0x5d: {  	[sflag:s0] =	ssyncadd.tile.s32 @!p0 $0x1;
	_ =	shalt  }
.Lfunc_end2:
_tile_overlayer_lowered:
.L_overlay_start_2:
0x5e: {  	(tag) =	ssettag $0x2  }
0x5f: {  	s0 =	rddreg [dreg:$0x0];
	s2 =	stileid.u32  }
0x60: {  	s1 =	rddreg [dreg:$0x1];
	p0 =	sne.s32 s2, $0x0  }
0x61: {  	s3 =	rddreg [dreg:$0x2];
	[bflag:$0x3] =	sbarrier.arrive $0xFFFF;
	s2 =	simm.s32 @!p0 $0x1C05  }
0x62: {  	[timem:s3], [sflag:s2] =	dma.local @!p0 [hbm:s0], s1  }
0x63: {  	s0 =	simm.s32 @!p0 $0x5  }
0x64: {  	_ =	swait.ge @!p0 [sflag:s0], s1  }
0x65: {  	s1 =	ssub.s32 @!p0 $0x0, s1;
	[sflag:s0] =	ssyncset.done @!p0 $0x0  }
0x66: {  	[sflag:s0] =	ssyncadd.s32 @!p0 s1  }
0x67: {  	[bflag:$0x3] =	sbarrier.arrive $0xFFFF  }
0x68: {  	_ =	shalt  }

</sc_bundles>
